<compile_context>
chip_gen: v7x
topology: tpu7x:2x2x1
jax: 0.10.2.dev20260603
libtpu: 0.0.44.dev20260713+nightly
codegen_flags: <defaults>
</compile_context>

<pallas_src>
import functools

import jax
import jax.numpy as jnp
from jax import lax
from jax.experimental import pallas as pl
from jax.experimental.pallas import tpu as pltpu
from jax.experimental.pallas import tpu_sc as plsc

M = 8192
N = 16384
C = 128
BN = 1024
_SPATIAL = 128.0
_UNIT = 0.4


NCH = 64
W = M // NCH


def _top3_body(vx_ref, tT_ref, t2T_ref, q2c_ref, idx_ref, w_ref):
    ab = jnp.dot(vx_ref[...], tT_ref[...],
                 preferred_element_type=jnp.float32)
    d2 = jnp.maximum((t2T_ref[...] + q2c_ref[...]) - 2.0 * ab, 0.0)
    d3 = d2.reshape(NCH, W, BN)
    BIG = jnp.int32(M)
    INF = jnp.float32(jnp.inf)

    cm = jnp.min(d3, axis=1)
    ci = lax.broadcasted_iota(jnp.int32, cm.shape, 0)
    NB = jnp.int32(NCH)
    c1v = jnp.min(cm, axis=0, keepdims=True)
    c1 = jnp.min(jnp.where(cm == c1v, ci, NB), axis=0, keepdims=True)
    c2v = jnp.min(jnp.where(ci == c1, INF, cm), axis=0, keepdims=True)
    c2 = jnp.min(jnp.where((cm == c2v) & (ci != c1), ci, NB),
                 axis=0, keepdims=True)
    c3v = jnp.min(jnp.where((ci == c1) | (ci == c2), INF, cm),
                  axis=0, keepdims=True)
    c3 = jnp.min(jnp.where((cm == c3v) & (ci != c1) & (ci != c2), ci, NB),
                 axis=0, keepdims=True)

    ci3 = lax.broadcasted_iota(jnp.int32, (NCH, 1, BN), 0)
    g1 = jnp.min(jnp.where(ci3 == c1[None], d3, INF), axis=0)
    g2 = jnp.min(jnp.where(ci3 == c2[None], d3, INF), axis=0)
    g3 = jnp.min(jnp.where(ci3 == c3[None], d3, INF), axis=0)
    cand = jnp.concatenate([g1, g2, g3], axis=0)
    iw = lax.broadcasted_iota(jnp.int32, (W, BN), 0)
    gidx = jnp.concatenate([c1 * W + iw, c2 * W + iw, c3 * W + iw], axis=0)

    m1 = jnp.min(cand, axis=0, keepdims=True)
    i1 = jnp.min(jnp.where(cand == m1, gidx, BIG), axis=0, keepdims=True)
    m2 = jnp.min(jnp.where(gidx == i1, INF, cand), axis=0, keepdims=True)
    i2 = jnp.min(jnp.where((cand == m2) & (gidx != i1), gidx, BIG),
                 axis=0, keepdims=True)
    m3 = jnp.min(jnp.where((gidx == i1) | (gidx == i2), INF, cand),
                 axis=0, keepdims=True)
    i3 = jnp.min(jnp.where((cand == m3) & (gidx != i1) & (gidx != i2),
                           gidx, BIG), axis=0, keepdims=True)

    r1 = 1.0 / (m1 + 1e-8)
    r2 = 1.0 / (m2 + 1e-8)
    r3 = 1.0 / (m3 + 1e-8)
    s = r1 + r2 + r3
    zi = jnp.zeros_like(i1)
    zf = jnp.zeros_like(m1)
    idx_ref[...] = jnp.concatenate([i1, i2, i3, zi], axis=0)
    w_ref[...] = jnp.concatenate([r1 / s, r2 / s, r3 / s, zf], axis=0)


def _top3(targets, vxt2, t2T, q2c):
    grid = N // BN
    return pl.pallas_call(
        _top3_body,
        grid=(grid,),
        in_specs=[
            pl.BlockSpec((M, 4), lambda i: (0, 0)),
            pl.BlockSpec((4, BN), lambda i: (0, i)),
            pl.BlockSpec((1, BN), lambda i: (0, i)),
            pl.BlockSpec((M, 1), lambda i: (0, 0)),
        ],
        out_specs=[
            pl.BlockSpec((4, BN), lambda i: (0, i)),
            pl.BlockSpec((4, BN), lambda i: (0, i)),
        ],
        out_shape=[
            jax.ShapeDtypeStruct((4, N), jnp.int32),
            jax.ShapeDtypeStruct((4, N), jnp.float32),
        ],
    )(targets, vxt2, t2T, q2c)


_NC, _NS = 2, 16
_NW = _NC * _NS
_ROWS = 3 * N
_RPW = _ROWS // _NW
_CH = 128


def _sc_gather(feats, idx_flat):
    mesh = plsc.VectorSubcoreMesh(core_axis_name="c", subcore_axis_name="s")

    @functools.partial(
        pl.kernel,
        mesh=mesh,
        out_type=jax.ShapeDtypeStruct((_ROWS, C), jnp.float32),
        scratch_types=[
            pltpu.VMEM((_CH,), jnp.int32),
            pltpu.VMEM((_CH, C), jnp.float32),
            pltpu.SemaphoreType.DMA,
        ],
    )
    def gather_kernel(feats_hbm, idx_hbm, out_hbm, idx_v, rows_v, sem):
        wid = lax.axis_index("s") * _NC + lax.axis_index("c")
        base = wid * _RPW

        def body(c, carry):
            off = base + c * _CH
            pltpu.sync_copy(idx_hbm.at[pl.ds(off, _CH)], idx_v)
            pltpu.async_copy(feats_hbm.at[idx_v], rows_v, sem).wait()
            pltpu.sync_copy(rows_v, out_hbm.at[pl.ds(off, _CH)])
            return carry

        lax.fori_loop(0, _RPW // _CH, body, 0)

    return gather_kernel(feats, idx_flat)


def _wsum_body(g_ref, w_ref, out_ref):
    g = g_ref[...]
    w = w_ref[...]
    out_ref[...] = (g[0] * w[:, 0:1]
                    + g[1] * w[:, 1:2]
                    + g[2] * w[:, 2:3])


def _wsum(gathered, w):
    grid = N // BN
    return pl.pallas_call(
        _wsum_body,
        grid=(grid,),
        in_specs=[
            pl.BlockSpec((3, BN, C), lambda i: (0, i, 0)),
            pl.BlockSpec((BN, 4), lambda i: (i, 0)),
        ],
        out_specs=pl.BlockSpec((BN, C), lambda i: (i, 0)),
        out_shape=jax.ShapeDtypeStruct((N, C), jnp.float32),
    )(gathered, w)


def kernel(sparse_features, sparse_indices, point_cloud, batch_ids):
    unit = jnp.full((3,), _UNIT, dtype=jnp.float32)
    voxel_extent = jnp.full((3,), _UNIT * _SPATIAL, dtype=jnp.float32)
    occ = sparse_indices.astype(jnp.float32)
    vx_xyz = occ[:, 1:] * unit - 0.5 * voxel_extent + 0.5 * unit
    vx_points = jnp.concatenate([occ[:, :1], vx_xyz], axis=1)
    targets = jnp.concatenate(
        [batch_ids.astype(jnp.float32)[:, None], point_cloud], axis=1)
    t2T = jnp.sum(targets * targets, axis=1)[None, :]
    q2c = jnp.sum(vx_points * vx_points, axis=1)[:, None]
    tT = targets.T

    idx4T, w4T = _top3(vx_points, tT, t2T, q2c)
    idx_flat = idx4T[:3].reshape(_ROWS)
    gathered = _sc_gather(sparse_features, idx_flat)
    return _wsum(gathered.reshape(3, N, C), w4T.T)

# --- scband reference (transcript-rebuilt; emitter-appended) ---
"""Pipeline reference for scband-voxel2-point-48584670053112 (READ-ONLY COPY).

The authoritative reference and input builder live on the scoring server;
editing this copy changes nothing except your own understanding.
"""

import jax, jax.numpy as jnp
import numpy as np

M = 8192   # occupied voxels
N = 16384  # target points
C = 128    # feature channels
B = 4      # batch size
SPATIAL = np.array([128.0, 128.0, 128.0])
UNIT = np.array([0.4, 0.4, 0.4])


def setup_inputs(seed: int = 0) -> dict:
    key = jax.random.key(seed)
    k1, k2, k3, k4, k5 = jax.random.split(key, 5)
    sparse_features = jax.random.normal(k1, (M, C), dtype=jnp.float32)
    vb = jax.random.randint(k2, (M, 1), 0, B)
    vs = jax.random.randint(k3, (M, 3), 0, 128)
    sparse_indices = jnp.concatenate([vb, vs], axis=1)  # (M, 4) bzyx-style int indices
    extent = jnp.asarray(UNIT * SPATIAL, dtype=jnp.float32)  # 51.2m cube
    point_cloud = (jax.random.uniform(k4, (N, 3), dtype=jnp.float32) - 0.5) * extent
    batch_ids = jax.random.randint(k5, (N,), 0, B)
    return {
        "sparse_features": sparse_features,
        "sparse_indices": sparse_indices,
        "point_cloud": point_cloud,
        "batch_ids": batch_ids,
    }


def reference(sparse_features, sparse_indices, point_cloud, batch_ids):
    unit = jnp.asarray(UNIT, dtype=jnp.float32)
    voxel_extent = jnp.asarray(UNIT * SPATIAL, dtype=jnp.float32)
    # _get_vertice_feats: voxel index -> metric center coordinate
    occ = sparse_indices.astype(jnp.float32)
    vx_xyz = occ[:, 1:] * unit - 0.5 * voxel_extent + 0.5 * unit
    vx_points = jnp.concatenate([occ[:, :1], vx_xyz], axis=1)  # (M, 4) bxyz
    # target points with batch coordinate prepended
    targets = jnp.concatenate([batch_ids.astype(jnp.float32)[:, None], point_cloud], axis=1)  # (N, 4)
    # three_nn: squared distances in bxyz space (batch coord separates batches)
    t2 = jnp.sum(targets * targets, axis=1)
    q2 = jnp.sum(vx_points * vx_points, axis=1)
    d2 = t2[:, None] + q2[None, :] - 2.0 * (targets @ vx_points.T)  # (N, M)
    d2 = jnp.maximum(d2, 0.0)
    neg_d, idx = jax.lax.top_k(-d2, 3)  # 3 nearest
    dist = -neg_d  # (N, 3)
    # three_interpolate: inverse-distance weighted feature interpolation
    dist_recip = 1.0 / (dist + 1e-08)
    norm = jnp.sum(dist_recip, axis=1, keepdims=True)
    weight = dist_recip / norm  # (N, 3)
    gathered = sparse_features[idx]  # (N, 3, C)
    interpolated_feats = jnp.sum(gathered * weight[..., None], axis=1)  # (N, C)
    return interpolated_feats

if __name__ == "__main__":
    import jax
    _d = setup_inputs()
    print(jax.jit(kernel)(*tuple(_d.values())))

</pallas_src>

<mosaic_0001>
#map = affine_map<(d0, d1) -> (0, 0)>
#map1 = affine_map<(d0, d1) -> (0)>
module attributes {stable_mosaic.version = 14 : i64} {
  func.func @gather_kernel(%arg0: i32, %arg1: i32, %arg2: memref<8192x128xf32, #tpu.memory_space<hbm>>, %arg3: memref<49152xi32, #tpu.memory_space<hbm>>, %arg4: memref<49152x128xf32, #tpu.memory_space<hbm>>, %arg5: memref<128xi32, #tpu.memory_space<vmem>>, %arg6: memref<128x128xf32, #tpu.memory_space<vmem>>, %arg7: memref<!tpu.dma_semaphore, #tpu.memory_space<semaphore_mem>>) attributes {dimension_semantics = [#tpu.dimension_semantics<core_parallel>, #tpu.dimension_semantics<subcore_parallel>], iteration_bounds = array<i64: 2, 16>, scalar_prefetch = 0 : i64, scratch_operands = 3 : i64, tpu.core_type = #tpu.core_type<sc_vector_subcore>, window_params = [{transform_indices = #map}, {transform_indices = #map1}, {transform_indices = #map}]} {
    %mul3A = arith.constant 2 : i32
    %mul3A_0 = arith.muli %arg1, %mul3A : i32
    %add3A = arith.addi %mul3A_0, %arg0 : i32
    %mul3A_1 = arith.constant 1536 : i32
    %mul3A_2 = arith.muli %add3A, %mul3A_1 : i32
    %scan3A = arith.constant 0 : i32
    %scan3A_3 = arith.constant 0 : i32
    %scan3A_4 = arith.constant 12 : i32
    %scan3A_5 = arith.addi %scan3A_3, %scan3A_4 : i32
    %scan3A_6 = arith.constant 1 : i32
    scf.for %scan3A_8 = %scan3A_3 to %scan3A_5 step %scan3A_6  : i32 {
      %mul3A_9 = arith.constant 128 : i32
      %mul3A_10 = arith.muli %scan3A_8, %mul3A_9 : i32
      %add3A_11 = arith.addi %mul3A_2, %mul3A_10 : i32
      "tpu.region"() ({
        %run_scoped3A = tpu.sem_alloc : memref<!tpu.dma_semaphore, #tpu.memory_space<semaphore_mem>>
        %dma_start3A_16 = tpu.memref_slice %arg3[%add3A_11] : memref<49152xi32, #tpu.memory_space<hbm>> -> memref<128xi32, #tpu.memory_space<hbm>>
        %dma_start3A_17 = tpu.memref_slice %arg3[%add3A_11] : memref<49152xi32, #tpu.memory_space<hbm>> -> memref<128xi32, #tpu.memory_space<hbm>>
        tpu.enqueue_dma source(%dma_start3A_17 : memref<128xi32, #tpu.memory_space<hbm>>) target(%arg5 : memref<128xi32, #tpu.memory_space<vmem>>) target_semaphore(%run_scoped3A : memref<!tpu.dma_semaphore, #tpu.memory_space<semaphore_mem>>)
        %dma_wait3A_18 = tpu.memref_slice %arg3[%add3A_11] : memref<49152xi32, #tpu.memory_space<hbm>> -> memref<128xi32, #tpu.memory_space<hbm>>
        %dma_wait3A_19 = tpu.memref_slice %arg3[%add3A_11] : memref<49152xi32, #tpu.memory_space<hbm>> -> memref<128xi32, #tpu.memory_space<hbm>>
        tpu.wait_dma2 semaphore(%run_scoped3A : memref<!tpu.dma_semaphore, #tpu.memory_space<semaphore_mem>>) src(%dma_wait3A_19 : memref<128xi32, #tpu.memory_space<hbm>>) dst(%arg5 : memref<128xi32, #tpu.memory_space<vmem>>)
        tpu.yield
      }) : () -> ()
      %dma_start3A = arith.constant 0 : i32
      %dma_start3A_12 = arith.constant 0 : i32
      %dma_start3A_13 = tpu.memref_slice %arg2[%dma_start3A, %dma_start3A_12] : memref<8192x128xf32, #tpu.memory_space<hbm>> -> memref<8192x128xf32, #tpu.memory_space<hbm>>
      tpu.enqueue_indirect_dma source(%dma_start3A_13 : memref<8192x128xf32, #tpu.memory_space<hbm>>) target(%arg6 : memref<128x128xf32, #tpu.memory_space<vmem>>) offsets(%arg5 : memref<128xi32, #tpu.memory_space<vmem>>) semaphore(%arg7 : memref<!tpu.dma_semaphore, #tpu.memory_space<semaphore_mem>>)
      %dma_wait3A = arith.constant 0 : i32
      %dma_wait3A_14 = arith.constant 0 : i32
      %dma_wait3A_15 = tpu.memref_slice %arg2[%dma_wait3A, %dma_wait3A_14] : memref<8192x128xf32, #tpu.memory_space<hbm>> -> memref<8192x128xf32, #tpu.memory_space<hbm>>
      tpu.wait_indirect_dma semaphore(%arg7 : memref<!tpu.dma_semaphore, #tpu.memory_space<semaphore_mem>>) src(%dma_wait3A_15 : memref<8192x128xf32, #tpu.memory_space<hbm>>) dst(%arg6 : memref<128x128xf32, #tpu.memory_space<vmem>>)
      "tpu.region"() ({
        %run_scoped3A = tpu.sem_alloc : memref<!tpu.dma_semaphore, #tpu.memory_space<semaphore_mem>>
        %dma_start3A_16 = arith.constant 0 : i32
        %dma_start3A_17 = tpu.memref_slice %arg4[%add3A_11, %dma_start3A_16] : memref<49152x128xf32, #tpu.memory_space<hbm>> -> memref<128x128xf32, #tpu.memory_space<hbm>>
        %dma_start3A_18 = arith.constant 0 : i32
        %dma_start3A_19 = tpu.memref_slice %arg4[%add3A_11, %dma_start3A_18] : memref<49152x128xf32, #tpu.memory_space<hbm>> -> memref<128x128xf32, #tpu.memory_space<hbm>>
        tpu.enqueue_dma source(%arg6 : memref<128x128xf32, #tpu.memory_space<vmem>>) target(%dma_start3A_19 : memref<128x128xf32, #tpu.memory_space<hbm>>) target_semaphore(%run_scoped3A : memref<!tpu.dma_semaphore, #tpu.memory_space<semaphore_mem>>)
        %dma_wait3A_20 = arith.constant 0 : i32
        %dma_wait3A_21 = tpu.memref_slice %arg4[%add3A_11, %dma_wait3A_20] : memref<49152x128xf32, #tpu.memory_space<hbm>> -> memref<128x128xf32, #tpu.memory_space<hbm>>
        %dma_wait3A_22 = arith.constant 0 : i32
        %dma_wait3A_23 = tpu.memref_slice %arg4[%add3A_11, %dma_wait3A_22] : memref<49152x128xf32, #tpu.memory_space<hbm>> -> memref<128x128xf32, #tpu.memory_space<hbm>>
        tpu.wait_dma2 semaphore(%run_scoped3A : memref<!tpu.dma_semaphore, #tpu.memory_space<semaphore_mem>>) src(%arg6 : memref<128x128xf32, #tpu.memory_space<vmem>>) dst(%dma_wait3A_23 : memref<128x128xf32, #tpu.memory_space<hbm>>)
        tpu.yield
      }) : () -> ()
    }
    %scan3A_7 = arith.constant 12 : i32
    return
  }
}

module attributes {stable_mosaic.version = 14 : i64} {
  func.func @_top3_body(%arg0: i32, %arg1: memref<8192x4xf32, #tpu.memory_space<vmem>>, %arg2: memref<4x1024xf32, #tpu.memory_space<vmem>>, %arg3: memref<1x1024xf32, #tpu.memory_space<vmem>>, %arg4: memref<8192x1xf32, #tpu.memory_space<vmem>>, %arg5: memref<4x1024xi32, #tpu.memory_space<vmem>>, %arg6: memref<4x1024xf32, #tpu.memory_space<vmem>>) attributes {dimension_semantics = [#tpu.dimension_semantics<arbitrary>], iteration_bounds = array<i64: 16>, scalar_prefetch = 0 : i64, scratch_operands = 0 : i64, tpu.core_type = #tpu.core_type<tc>, window_params = [{pipeline_mode = #tpu.pipeline_mode<synchronous>, transform_indices = @transform_0, window_bounds = array<i64: 8192, 4>}, {transform_indices = @transform_1, window_bounds = array<i64: 4, 1024>}, {transform_indices = @transform_2, window_bounds = array<i64: 1, 1024>}, {pipeline_mode = #tpu.pipeline_mode<synchronous>, transform_indices = @transform_3, window_bounds = array<i64: 8192, 1>}, {transform_indices = @transform_4, window_bounds = array<i64: 4, 1024>}, {transform_indices = @transform_5, window_bounds = array<i64: 4, 1024>}]} {
    %get3A = arith.constant 0 : index
    %get3A_0 = arith.constant 0 : index
    %get3A_1 = vector.load %arg1[%get3A, %get3A_0] : memref<8192x4xf32, #tpu.memory_space<vmem>>, vector<8192x4xf32>
    %get3A_2 = arith.constant 0 : index
    %get3A_3 = arith.constant 0 : index
    %get3A_4 = vector.load %arg2[%get3A_2, %get3A_3] : memref<4x1024xf32, #tpu.memory_space<vmem>>, vector<4x1024xf32>
    %dot_general3A = arith.constant dense<0.000000e+00> : vector<8192x1024xf32>
    %dot_general3A_5 = tpu.matmul %get3A_1, %get3A_4, %dot_general3A {dimension_numbers = #tpu.dot_dimension_numbers<[1], [0], [0], [1], [0, 0, 1, 1], [], []>, transpose_lhs_hint = false} : vector<8192x4xf32>, vector<4x1024xf32>, vector<8192x1024xf32> -> vector<8192x1024xf32>
    %get3A_6 = arith.constant 0 : index
    %get3A_7 = arith.constant 0 : index
    %get3A_8 = vector.load %arg3[%get3A_6, %get3A_7] : memref<1x1024xf32, #tpu.memory_space<vmem>>, vector<1x1024xf32>
    %get3A_9 = arith.constant 0 : index
    %get3A_10 = arith.constant 0 : index
    %get3A_11 = vector.load %arg4[%get3A_9, %get3A_10] : memref<8192x1xf32, #tpu.memory_space<vmem>>, vector<8192x1xf32>
    %add3A = vector.broadcast %get3A_8 : vector<1x1024xf32> to vector<8192x1024xf32>
    %add3A_12 = vector.broadcast %get3A_11 : vector<8192x1xf32> to vector<8192x1024xf32>
    %add3A_13 = arith.addf %add3A, %add3A_12 : vector<8192x1024xf32>
    %mul3A = arith.constant 2.000000e+00 : f32
    %mul3A_14 = vector.broadcast %mul3A : f32 to vector<8192x1024xf32>
    %mul3A_15 = arith.mulf %mul3A_14, %dot_general3A_5 : vector<8192x1024xf32>
    %sub3A = arith.subf %add3A_13, %mul3A_15 : vector<8192x1024xf32>
    %max3A = arith.constant 0.000000e+00 : f32
    %max3A_16 = vector.broadcast %max3A : f32 to vector<8192x1024xf32>
    %max3A_17 = arith.maximumf %sub3A, %max3A_16 : vector<8192x1024xf32>
    %reshape3A = vector.shape_cast %max3A_17 : vector<8192x1024xf32> to vector<64x128x1024xf32>
    %reduce_min3A = arith.constant dense<0x7F800000> : vector<64x1024xf32>
    %reduce_min3A_18 = vector.multi_reduction <minimumf>, %reshape3A, %reduce_min3A [1] : vector<64x128x1024xf32> to vector<64x1024xf32>
    %iota3A = tpu.iota {dimensions = array<i32: 0>} : vector<64x1024xi32>
    %reduce_min3A_19 = arith.constant dense<0x7F800000> : vector<1024xf32>
    %reduce_min3A_20 = vector.multi_reduction <minimumf>, %reduce_min3A_18, %reduce_min3A_19 [0] : vector<64x1024xf32> to vector<1024xf32>
    %broadcast_in_dim3A = vector.shape_cast %reduce_min3A_20 : vector<1024xf32> to vector<1x1024xf32>
    %eq3A = vector.broadcast %broadcast_in_dim3A : vector<1x1024xf32> to vector<64x1024xf32>
    %eq3A_21 = arith.cmpf oeq, %reduce_min3A_18, %eq3A : vector<64x1024xf32>
    %jit3A = arith.constant 64 : i32
    %broadcast_in_dim3A_22 = vector.broadcast %jit3A : i32 to vector<64x1024xi32>
    %select_n3A = arith.select %eq3A_21, %iota3A, %broadcast_in_dim3A_22 : vector<64x1024xi1>, vector<64x1024xi32>
    %reduce_min3A_23 = arith.constant dense<2147483647> : vector<1024xi32>
    %reduce_min3A_24 = vector.multi_reduction <minsi>, %select_n3A, %reduce_min3A_23 [0] : vector<64x1024xi32> to vector<1024xi32>
    %broadcast_in_dim3A_25 = vector.shape_cast %reduce_min3A_24 : vector<1024xi32> to vector<1x1024xi32>
    %eq3A_26 = vector.broadcast %broadcast_in_dim3A_25 : vector<1x1024xi32> to vector<64x1024xi32>
    %eq3A_27 = arith.cmpi eq, %iota3A, %eq3A_26 : vector<64x1024xi32>
    %jit3A_28 = arith.constant 0x7F800000 : f32
    %broadcast_in_dim3A_29 = vector.broadcast %jit3A_28 : f32 to vector<64x1024xf32>
    %select_n3A_30 = arith.select %eq3A_27, %broadcast_in_dim3A_29, %reduce_min3A_18 : vector<64x1024xi1>, vector<64x1024xf32>
    %reduce_min3A_31 = arith.constant dense<0x7F800000> : vector<1024xf32>
    %reduce_min3A_32 = vector.multi_reduction <minimumf>, %select_n3A_30, %reduce_min3A_31 [0] : vector<64x1024xf32> to vector<1024xf32>
    %broadcast_in_dim3A_33 = vector.shape_cast %reduce_min3A_32 : vector<1024xf32> to vector<1x1024xf32>
    %eq3A_34 = vector.broadcast %broadcast_in_dim3A_33 : vector<1x1024xf32> to vector<64x1024xf32>
    %eq3A_35 = arith.cmpf oeq, %reduce_min3A_18, %eq3A_34 : vector<64x1024xf32>
    %ne3A = vector.broadcast %broadcast_in_dim3A_25 : vector<1x1024xi32> to vector<64x1024xi32>
    %ne3A_36 = arith.cmpi ne, %iota3A, %ne3A : vector<64x1024xi32>
    %and3A = arith.andi %eq3A_35, %ne3A_36 : vector<64x1024xi1>
    %jit3A_37 = arith.constant 64 : i32
    %broadcast_in_dim3A_38 = vector.broadcast %jit3A_37 : i32 to vector<64x1024xi32>
    %select_n3A_39 = arith.select %and3A, %iota3A, %broadcast_in_dim3A_38 : vector<64x1024xi1>, vector<64x1024xi32>
    %reduce_min3A_40 = arith.constant dense<2147483647> : vector<1024xi32>
    %reduce_min3A_41 = vector.multi_reduction <minsi>, %select_n3A_39, %reduce_min3A_40 [0] : vector<64x1024xi32> to vector<1024xi32>
    %broadcast_in_dim3A_42 = vector.shape_cast %reduce_min3A_41 : vector<1024xi32> to vector<1x1024xi32>
    %eq3A_43 = vector.broadcast %broadcast_in_dim3A_25 : vector<1x1024xi32> to vector<64x1024xi32>
    %eq3A_44 = arith.cmpi eq, %iota3A, %eq3A_43 : vector<64x1024xi32>
    %eq3A_45 = vector.broadcast %broadcast_in_dim3A_42 : vector<1x1024xi32> to vector<64x1024xi32>
    %eq3A_46 = arith.cmpi eq, %iota3A, %eq3A_45 : vector<64x1024xi32>
    %or3A = arith.ori %eq3A_44, %eq3A_46 : vector<64x1024xi1>
    %jit3A_47 = arith.constant 0x7F800000 : f32
    %broadcast_in_dim3A_48 = vector.broadcast %jit3A_47 : f32 to vector<64x1024xf32>
    %select_n3A_49 = arith.select %or3A, %broadcast_in_dim3A_48, %reduce_min3A_18 : vector<64x1024xi1>, vector<64x1024xf32>
    %reduce_min3A_50 = arith.constant dense<0x7F800000> : vector<1024xf32>
    %reduce_min3A_51 = vector.multi_reduction <minimumf>, %select_n3A_49, %reduce_min3A_50 [0] : vector<64x1024xf32> to vector<1024xf32>
    %broadcast_in_dim3A_52 = vector.shape_cast %reduce_min3A_51 : vector<1024xf32> to vector<1x1024xf32>
    %eq3A_53 = vector.broadcast %broadcast_in_dim3A_52 : vector<1x1024xf32> to vector<64x1024xf32>
    %eq3A_54 = arith.cmpf oeq, %reduce_min3A_18, %eq3A_53 : vector<64x1024xf32>
    %ne3A_55 = vector.broadcast %broadcast_in_dim3A_25 : vector<1x1024xi32> to vector<64x1024xi32>
    %ne3A_56 = arith.cmpi ne, %iota3A, %ne3A_55 : vector<64x1024xi32>
    %and3A_57 = arith.andi %eq3A_54, %ne3A_56 : vector<64x1024xi1>
    %ne3A_58 = vector.broadcast %broadcast_in_dim3A_42 : vector<1x1024xi32> to vector<64x1024xi32>
    %ne3A_59 = arith.cmpi ne, %iota3A, %ne3A_58 : vector<64x1024xi32>
    %and3A_60 = arith.andi %and3A_57, %ne3A_59 : vector<64x1024xi1>
    %jit3A_61 = arith.constant 64 : i32
    %broadcast_in_dim3A_62 = vector.broadcast %jit3A_61 : i32 to vector<64x1024xi32>
    %select_n3A_63 = arith.select %and3A_60, %iota3A, %broadcast_in_dim3A_62 : vector<64x1024xi1>, vector<64x1024xi32>
    %reduce_min3A_64 = arith.constant dense<2147483647> : vector<1024xi32>
    %reduce_min3A_65 = vector.multi_reduction <minsi>, %select_n3A_63, %reduce_min3A_64 [0] : vector<64x1024xi32> to vector<1024xi32>
    %broadcast_in_dim3A_66 = vector.shape_cast %reduce_min3A_65 : vector<1024xi32> to vector<1x1024xi32>
    %iota3A_67 = tpu.iota {dimensions = array<i32: 0>} : vector<64x1x1024xi32>
    %broadcast_in_dim3A_68 = vector.shape_cast %broadcast_in_dim3A_25 : vector<1x1024xi32> to vector<1x1x1024xi32>
    %eq3A_69 = vector.broadcast %broadcast_in_dim3A_68 : vector<1x1x1024xi32> to vector<64x1x1024xi32>
    %eq3A_70 = arith.cmpi eq, %iota3A_67, %eq3A_69 : vector<64x1x1024xi32>
    %jit3A_71 = arith.constant 0x7F800000 : f32
    %broadcast_in_dim3A_72 = vector.shape_cast %eq3A_70 : vector<64x1x1024xi1> to vector<64x1x1024xi1>
    %broadcast_in_dim3A_73 = vector.broadcast %broadcast_in_dim3A_72 : vector<64x1x1024xi1> to vector<64x128x1024xi1>
    %broadcast_in_dim3A_74 = vector.broadcast %jit3A_71 : f32 to vector<64x128x1024xf32>
    %select_n3A_75 = arith.select %broadcast_in_dim3A_73, %reshape3A, %broadcast_in_dim3A_74 : vector<64x128x1024xi1>, vector<64x128x1024xf32>
    %reduce_min3A_76 = arith.constant dense<0x7F800000> : vector<128x1024xf32>
    %reduce_min3A_77 = vector.multi_reduction <minimumf>, %select_n3A_75, %reduce_min3A_76 [0] : vector<64x128x1024xf32> to vector<128x1024xf32>
    %broadcast_in_dim3A_78 = vector.shape_cast %broadcast_in_dim3A_42 : vector<1x1024xi32> to vector<1x1x1024xi32>
    %eq3A_79 = vector.broadcast %broadcast_in_dim3A_78 : vector<1x1x1024xi32> to vector<64x1x1024xi32>
    %eq3A_80 = arith.cmpi eq, %iota3A_67, %eq3A_79 : vector<64x1x1024xi32>
    %jit3A_81 = arith.constant 0x7F800000 : f32
    %broadcast_in_dim3A_82 = vector.shape_cast %eq3A_80 : vector<64x1x1024xi1> to vector<64x1x1024xi1>
    %broadcast_in_dim3A_83 = vector.broadcast %broadcast_in_dim3A_82 : vector<64x1x1024xi1> to vector<64x128x1024xi1>
    %broadcast_in_dim3A_84 = vector.broadcast %jit3A_81 : f32 to vector<64x128x1024xf32>
    %select_n3A_85 = arith.select %broadcast_in_dim3A_83, %reshape3A, %broadcast_in_dim3A_84 : vector<64x128x1024xi1>, vector<64x128x1024xf32>
    %reduce_min3A_86 = arith.constant dense<0x7F800000> : vector<128x1024xf32>
    %reduce_min3A_87 = vector.multi_reduction <minimumf>, %select_n3A_85, %reduce_min3A_86 [0] : vector<64x128x1024xf32> to vector<128x1024xf32>
    %broadcast_in_dim3A_88 = vector.shape_cast %broadcast_in_dim3A_66 : vector<1x1024xi32> to vector<1x1x1024xi32>
    %eq3A_89 = vector.broadcast %broadcast_in_dim3A_88 : vector<1x1x1024xi32> to vector<64x1x1024xi32>
    %eq3A_90 = arith.cmpi eq, %iota3A_67, %eq3A_89 : vector<64x1x1024xi32>
    %jit3A_91 = arith.constant 0x7F800000 : f32
    %broadcast_in_dim3A_92 = vector.shape_cast %eq3A_90 : vector<64x1x1024xi1> to vector<64x1x1024xi1>
    %broadcast_in_dim3A_93 = vector.broadcast %broadcast_in_dim3A_92 : vector<64x1x1024xi1> to vector<64x128x1024xi1>
    %broadcast_in_dim3A_94 = vector.broadcast %jit3A_91 : f32 to vector<64x128x1024xf32>
    %select_n3A_95 = arith.select %broadcast_in_dim3A_93, %reshape3A, %broadcast_in_dim3A_94 : vector<64x128x1024xi1>, vector<64x128x1024xf32>
    %reduce_min3A_96 = arith.constant dense<0x7F800000> : vector<128x1024xf32>
    %reduce_min3A_97 = vector.multi_reduction <minimumf>, %select_n3A_95, %reduce_min3A_96 [0] : vector<64x128x1024xf32> to vector<128x1024xf32>
    %concatenate3A = tpu.concatenate %reduce_min3A_77, %reduce_min3A_87, %reduce_min3A_97 in 0 : vector<128x1024xf32>, vector<128x1024xf32>, vector<128x1024xf32> -> vector<384x1024xf32>
    %iota3A_98 = tpu.iota {dimensions = array<i32: 0>} : vector<128x1024xi32>
    %mul3A_99 = arith.constant 128 : i32
    %mul3A_100 = vector.broadcast %mul3A_99 : i32 to vector<1x1024xi32>
    %mul3A_101 = arith.muli %broadcast_in_dim3A_25, %mul3A_100 : vector<1x1024xi32>
    %add3A_102 = vector.broadcast %mul3A_101 : vector<1x1024xi32> to vector<128x1024xi32>
    %add3A_103 = arith.addi %add3A_102, %iota3A_98 : vector<128x1024xi32>
    %mul3A_104 = arith.constant 128 : i32
    %mul3A_105 = vector.broadcast %mul3A_104 : i32 to vector<1x1024xi32>
    %mul3A_106 = arith.muli %broadcast_in_dim3A_42, %mul3A_105 : vector<1x1024xi32>
    %add3A_107 = vector.broadcast %mul3A_106 : vector<1x1024xi32> to vector<128x1024xi32>
    %add3A_108 = arith.addi %add3A_107, %iota3A_98 : vector<128x1024xi32>
    %mul3A_109 = arith.constant 128 : i32
    %mul3A_110 = vector.broadcast %mul3A_109 : i32 to vector<1x1024xi32>
    %mul3A_111 = arith.muli %broadcast_in_dim3A_66, %mul3A_110 : vector<1x1024xi32>
    %add3A_112 = vector.broadcast %mul3A_111 : vector<1x1024xi32> to vector<128x1024xi32>
    %add3A_113 = arith.addi %add3A_112, %iota3A_98 : vector<128x1024xi32>
    %concatenate3A_114 = tpu.concatenate %add3A_103, %add3A_108, %add3A_113 in 0 : vector<128x1024xi32>, vector<128x1024xi32>, vector<128x1024xi32> -> vector<384x1024xi32>
    %reduce_min3A_115 = arith.constant dense<0x7F800000> : vector<1024xf32>
    %reduce_min3A_116 = vector.multi_reduction <minimumf>, %concatenate3A, %reduce_min3A_115 [0] : vector<384x1024xf32> to vector<1024xf32>
    %broadcast_in_dim3A_117 = vector.shape_cast %reduce_min3A_116 : vector<1024xf32> to vector<1x1024xf32>
    %eq3A_118 = vector.broadcast %broadcast_in_dim3A_117 : vector<1x1024xf32> to vector<384x1024xf32>
    %eq3A_119 = arith.cmpf oeq, %concatenate3A, %eq3A_118 : vector<384x1024xf32>
    %jit3A_120 = arith.constant 8192 : i32
    %broadcast_in_dim3A_121 = vector.broadcast %jit3A_120 : i32 to vector<384x1024xi32>
    %select_n3A_122 = arith.select %eq3A_119, %concatenate3A_114, %broadcast_in_dim3A_121 : vector<384x1024xi1>, vector<384x1024xi32>
    %reduce_min3A_123 = arith.constant dense<2147483647> : vector<1024xi32>
    %reduce_min3A_124 = vector.multi_reduction <minsi>, %select_n3A_122, %reduce_min3A_123 [0] : vector<384x1024xi32> to vector<1024xi32>
    %broadcast_in_dim3A_125 = vector.shape_cast %reduce_min3A_124 : vector<1024xi32> to vector<1x1024xi32>
    %eq3A_126 = vector.broadcast %broadcast_in_dim3A_125 : vector<1x1024xi32> to vector<384x1024xi32>
    %eq3A_127 = arith.cmpi eq, %concatenate3A_114, %eq3A_126 : vector<384x1024xi32>
    %jit3A_128 = arith.constant 0x7F800000 : f32
    %broadcast_in_dim3A_129 = vector.broadcast %jit3A_128 : f32 to vector<384x1024xf32>
    %select_n3A_130 = arith.select %eq3A_127, %broadcast_in_dim3A_129, %concatenate3A : vector<384x1024xi1>, vector<384x1024xf32>
    %reduce_min3A_131 = arith.constant dense<0x7F800000> : vector<1024xf32>
    %reduce_min3A_132 = vector.multi_reduction <minimumf>, %select_n3A_130, %reduce_min3A_131 [0] : vector<384x1024xf32> to vector<1024xf32>
    %broadcast_in_dim3A_133 = vector.shape_cast %reduce_min3A_132 : vector<1024xf32> to vector<1x1024xf32>
    %eq3A_134 = vector.broadcast %broadcast_in_dim3A_133 : vector<1x1024xf32> to vector<384x1024xf32>
    %eq3A_135 = arith.cmpf oeq, %concatenate3A, %eq3A_134 : vector<384x1024xf32>
    %ne3A_136 = vector.broadcast %broadcast_in_dim3A_125 : vector<1x1024xi32> to vector<384x1024xi32>
    %ne3A_137 = arith.cmpi ne, %concatenate3A_114, %ne3A_136 : vector<384x1024xi32>
    %and3A_138 = arith.andi %eq3A_135, %ne3A_137 : vector<384x1024xi1>
    %jit3A_139 = arith.constant 8192 : i32
    %broadcast_in_dim3A_140 = vector.broadcast %jit3A_139 : i32 to vector<384x1024xi32>
    %select_n3A_141 = arith.select %and3A_138, %concatenate3A_114, %broadcast_in_dim3A_140 : vector<384x1024xi1>, vector<384x1024xi32>
    %reduce_min3A_142 = arith.constant dense<2147483647> : vector<1024xi32>
    %reduce_min3A_143 = vector.multi_reduction <minsi>, %select_n3A_141, %reduce_min3A_142 [0] : vector<384x1024xi32> to vector<1024xi32>
    %broadcast_in_dim3A_144 = vector.shape_cast %reduce_min3A_143 : vector<1024xi32> to vector<1x1024xi32>
    %eq3A_145 = vector.broadcast %broadcast_in_dim3A_125 : vector<1x1024xi32> to vector<384x1024xi32>
    %eq3A_146 = arith.cmpi eq, %concatenate3A_114, %eq3A_145 : vector<384x1024xi32>
    %eq3A_147 = vector.broadcast %broadcast_in_dim3A_144 : vector<1x1024xi32> to vector<384x1024xi32>
    %eq3A_148 = arith.cmpi eq, %concatenate3A_114, %eq3A_147 : vector<384x1024xi32>
    %or3A_149 = arith.ori %eq3A_146, %eq3A_148 : vector<384x1024xi1>
    %jit3A_150 = arith.constant 0x7F800000 : f32
    %broadcast_in_dim3A_151 = vector.broadcast %jit3A_150 : f32 to vector<384x1024xf32>
    %select_n3A_152 = arith.select %or3A_149, %broadcast_in_dim3A_151, %concatenate3A : vector<384x1024xi1>, vector<384x1024xf32>
    %reduce_min3A_153 = arith.constant dense<0x7F800000> : vector<1024xf32>
    %reduce_min3A_154 = vector.multi_reduction <minimumf>, %select_n3A_152, %reduce_min3A_153 [0] : vector<384x1024xf32> to vector<1024xf32>
    %broadcast_in_dim3A_155 = vector.shape_cast %reduce_min3A_154 : vector<1024xf32> to vector<1x1024xf32>
    %eq3A_156 = vector.broadcast %broadcast_in_dim3A_155 : vector<1x1024xf32> to vector<384x1024xf32>
    %eq3A_157 = arith.cmpf oeq, %concatenate3A, %eq3A_156 : vector<384x1024xf32>
    %ne3A_158 = vector.broadcast %broadcast_in_dim3A_125 : vector<1x1024xi32> to vector<384x1024xi32>
    %ne3A_159 = arith.cmpi ne, %concatenate3A_114, %ne3A_158 : vector<384x1024xi32>
    %and3A_160 = arith.andi %eq3A_157, %ne3A_159 : vector<384x1024xi1>
    %ne3A_161 = vector.broadcast %broadcast_in_dim3A_144 : vector<1x1024xi32> to vector<384x1024xi32>
    %ne3A_162 = arith.cmpi ne, %concatenate3A_114, %ne3A_161 : vector<384x1024xi32>
    %and3A_163 = arith.andi %and3A_160, %ne3A_162 : vector<384x1024xi1>
    %jit3A_164 = arith.constant 8192 : i32
    %broadcast_in_dim3A_165 = vector.broadcast %jit3A_164 : i32 to vector<384x1024xi32>
    %select_n3A_166 = arith.select %and3A_163, %concatenate3A_114, %broadcast_in_dim3A_165 : vector<384x1024xi1>, vector<384x1024xi32>
    %reduce_min3A_167 = arith.constant dense<2147483647> : vector<1024xi32>
    %reduce_min3A_168 = vector.multi_reduction <minsi>, %select_n3A_166, %reduce_min3A_167 [0] : vector<384x1024xi32> to vector<1024xi32>
    %broadcast_in_dim3A_169 = vector.shape_cast %reduce_min3A_168 : vector<1024xi32> to vector<1x1024xi32>
    %add3A_170 = arith.constant 9.99999993E-9 : f32
    %add3A_171 = vector.broadcast %add3A_170 : f32 to vector<1x1024xf32>
    %add3A_172 = arith.addf %broadcast_in_dim3A_117, %add3A_171 : vector<1x1024xf32>
    %div3A = arith.constant 1.000000e+00 : f32
    %div3A_173 = vector.broadcast %div3A : f32 to vector<1x1024xf32>
    %div3A_174 = arith.divf %div3A_173, %add3A_172 : vector<1x1024xf32>
    %add3A_175 = arith.constant 9.99999993E-9 : f32
    %add3A_176 = vector.broadcast %add3A_175 : f32 to vector<1x1024xf32>
    %add3A_177 = arith.addf %broadcast_in_dim3A_133, %add3A_176 : vector<1x1024xf32>
    %div3A_178 = arith.constant 1.000000e+00 : f32
    %div3A_179 = vector.broadcast %div3A_178 : f32 to vector<1x1024xf32>
    %div3A_180 = arith.divf %div3A_179, %add3A_177 : vector<1x1024xf32>
    %add3A_181 = arith.constant 9.99999993E-9 : f32
    %add3A_182 = vector.broadcast %add3A_181 : f32 to vector<1x1024xf32>
    %add3A_183 = arith.addf %broadcast_in_dim3A_155, %add3A_182 : vector<1x1024xf32>
    %div3A_184 = arith.constant 1.000000e+00 : f32
    %div3A_185 = vector.broadcast %div3A_184 : f32 to vector<1x1024xf32>
    %div3A_186 = arith.divf %div3A_185, %add3A_183 : vector<1x1024xf32>
    %add3A_187 = arith.addf %div3A_174, %div3A_180 : vector<1x1024xf32>
    %add3A_188 = arith.addf %add3A_187, %div3A_186 : vector<1x1024xf32>
    %broadcast_in_dim3A_189 = arith.constant 0 : i32
    %broadcast_in_dim3A_190 = vector.broadcast %broadcast_in_dim3A_189 : i32 to vector<1x1024xi32>
    %broadcast_in_dim3A_191 = arith.constant 0.000000e+00 : f32
    %broadcast_in_dim3A_192 = vector.broadcast %broadcast_in_dim3A_191 : f32 to vector<1x1024xf32>
    %concatenate3A_193 = tpu.concatenate %broadcast_in_dim3A_125, %broadcast_in_dim3A_144, %broadcast_in_dim3A_169, %broadcast_in_dim3A_190 in 0 : vector<1x1024xi32>, vector<1x1024xi32>, vector<1x1024xi32>, vector<1x1024xi32> -> vector<4x1024xi32>
    %swap3A = arith.constant 0 : index
    %swap3A_194 = arith.constant 0 : index
    %swap3A_195 = vector.load %arg5[%swap3A, %swap3A_194] : memref<4x1024xi32, #tpu.memory_space<vmem>>, vector<4x1024xi32>
    tpu.vector_store %arg5[%swap3A, %swap3A_194], %concatenate3A_193 {strides = array<i32>} : memref<4x1024xi32, #tpu.memory_space<vmem>>, vector<4x1024xi32>,
    %div3A_196 = arith.divf %div3A_174, %add3A_188 : vector<1x1024xf32>
    %div3A_197 = arith.divf %div3A_180, %add3A_188 : vector<1x1024xf32>
    %div3A_198 = arith.divf %div3A_186, %add3A_188 : vector<1x1024xf32>
    %concatenate3A_199 = tpu.concatenate %div3A_196, %div3A_197, %div3A_198, %broadcast_in_dim3A_192 in 0 : vector<1x1024xf32>, vector<1x1024xf32>, vector<1x1024xf32>, vector<1x1024xf32> -> vector<4x1024xf32>
    %swap3A_200 = arith.constant 0 : index
    %swap3A_201 = arith.constant 0 : index
    %swap3A_202 = vector.load %arg6[%swap3A_200, %swap3A_201] : memref<4x1024xf32, #tpu.memory_space<vmem>>, vector<4x1024xf32>
    tpu.vector_store %arg6[%swap3A_200, %swap3A_201], %concatenate3A_199 {strides = array<i32>} : memref<4x1024xf32, #tpu.memory_space<vmem>>, vector<4x1024xf32>,
    return
  }
  func.func @transform_0(%arg0: i32) -> (i32, i32) {
    %c0_i32 = arith.constant 0 : i32
    %c0_i32_0 = arith.constant 0 : i32
    %c0_i32_1 = arith.constant 0 : i32
    return %c0_i32, %c0_i32_0 : i32, i32
  }
  func.func @transform_1(%arg0: i32) -> (i32, i32) {
    %c0_i32 = arith.constant 0 : i32
    %c0_i32_0 = arith.constant 0 : i32
    return %c0_i32, %arg0 : i32, i32
  }
  func.func @transform_2(%arg0: i32) -> (i32, i32) {
    %c0_i32 = arith.constant 0 : i32
    %c0_i32_0 = arith.constant 0 : i32
    return %c0_i32, %arg0 : i32, i32
  }
  func.func @transform_3(%arg0: i32) -> (i32, i32) {
    %c0_i32 = arith.constant 0 : i32
    %c0_i32_0 = arith.constant 0 : i32
    %c0_i32_1 = arith.constant 0 : i32
    return %c0_i32, %c0_i32_0 : i32, i32
  }
  func.func @transform_4(%arg0: i32) -> (i32, i32) {
    %c0_i32 = arith.constant 0 : i32
    %c0_i32_0 = arith.constant 0 : i32
    return %c0_i32, %arg0 : i32, i32
  }
  func.func @transform_5(%arg0: i32) -> (i32, i32) {
    %c0_i32 = arith.constant 0 : i32
    %c0_i32_0 = arith.constant 0 : i32
    return %c0_i32, %arg0 : i32, i32
  }
}

module attributes {stable_mosaic.version = 14 : i64} {
  func.func @_wsum_body(%arg0: i32, %arg1: memref<3x1024x128xf32, #tpu.memory_space<vmem>>, %arg2: memref<1024x4xf32, #tpu.memory_space<vmem>>, %arg3: memref<1024x128xf32, #tpu.memory_space<vmem>>) attributes {dimension_semantics = [#tpu.dimension_semantics<arbitrary>], iteration_bounds = array<i64: 16>, scalar_prefetch = 0 : i64, scratch_operands = 0 : i64, tpu.core_type = #tpu.core_type<tc>, window_params = [{transform_indices = @transform_0, window_bounds = array<i64: 3, 1024, 128>}, {transform_indices = @transform_1, window_bounds = array<i64: 1024, 4>}, {transform_indices = @transform_2, window_bounds = array<i64: 1024, 128>}]} {
    %get3A = arith.constant 0 : index
    %get3A_0 = arith.constant 0 : index
    %get3A_1 = arith.constant 0 : index
    %get3A_2 = vector.load %arg1[%get3A, %get3A_0, %get3A_1] : memref<3x1024x128xf32, #tpu.memory_space<vmem>>, vector<3x1024x128xf32>
    %get3A_3 = arith.constant 0 : index
    %get3A_4 = arith.constant 0 : index
    %get3A_5 = vector.load %arg2[%get3A_3, %get3A_4] : memref<1024x4xf32, #tpu.memory_space<vmem>>, vector<1024x4xf32>
    %slice3A = vector.extract_strided_slice %get3A_2 {offsets = [0, 0, 0], sizes = [1, 1024, 128], strides = [1, 1, 1]} : vector<3x1024x128xf32> to vector<1x1024x128xf32>
    %squeeze3A = vector.shape_cast %slice3A : vector<1x1024x128xf32> to vector<1024x128xf32>
    %slice3A_6 = vector.extract_strided_slice %get3A_5 {offsets = [0, 0], sizes = [1024, 1], strides = [1, 1]} : vector<1024x4xf32> to vector<1024x1xf32>
    %mul3A = vector.broadcast %slice3A_6 : vector<1024x1xf32> to vector<1024x128xf32>
    %mul3A_7 = arith.mulf %squeeze3A, %mul3A : vector<1024x128xf32>
    %slice3A_8 = vector.extract_strided_slice %get3A_2 {offsets = [1, 0, 0], sizes = [1, 1024, 128], strides = [1, 1, 1]} : vector<3x1024x128xf32> to vector<1x1024x128xf32>
    %squeeze3A_9 = vector.shape_cast %slice3A_8 : vector<1x1024x128xf32> to vector<1024x128xf32>
    %slice3A_10 = vector.extract_strided_slice %get3A_5 {offsets = [0, 1], sizes = [1024, 1], strides = [1, 1]} : vector<1024x4xf32> to vector<1024x1xf32>
    %mul3A_11 = vector.broadcast %slice3A_10 : vector<1024x1xf32> to vector<1024x128xf32>
    %mul3A_12 = arith.mulf %squeeze3A_9, %mul3A_11 : vector<1024x128xf32>
    %add3A = arith.addf %mul3A_7, %mul3A_12 : vector<1024x128xf32>
    %slice3A_13 = vector.extract_strided_slice %get3A_2 {offsets = [2, 0, 0], sizes = [1, 1024, 128], strides = [1, 1, 1]} : vector<3x1024x128xf32> to vector<1x1024x128xf32>
    %squeeze3A_14 = vector.shape_cast %slice3A_13 : vector<1x1024x128xf32> to vector<1024x128xf32>
    %slice3A_15 = vector.extract_strided_slice %get3A_5 {offsets = [0, 2], sizes = [1024, 1], strides = [1, 1]} : vector<1024x4xf32> to vector<1024x1xf32>
    %mul3A_16 = vector.broadcast %slice3A_15 : vector<1024x1xf32> to vector<1024x128xf32>
    %mul3A_17 = arith.mulf %squeeze3A_14, %mul3A_16 : vector<1024x128xf32>
    %add3A_18 = arith.addf %add3A, %mul3A_17 : vector<1024x128xf32>
    %swap3A = arith.constant 0 : index
    %swap3A_19 = arith.constant 0 : index
    %swap3A_20 = vector.load %arg3[%swap3A, %swap3A_19] : memref<1024x128xf32, #tpu.memory_space<vmem>>, vector<1024x128xf32>
    tpu.vector_store %arg3[%swap3A, %swap3A_19], %add3A_18 {strides = array<i32>} : memref<1024x128xf32, #tpu.memory_space<vmem>>, vector<1024x128xf32>,
    return
  }
  func.func @transform_0(%arg0: i32) -> (i32, i32, i32) {
    %c0_i32 = arith.constant 0 : i32
    %c0_i32_0 = arith.constant 0 : i32
    %c0_i32_1 = arith.constant 0 : i32
    return %c0_i32, %arg0, %c0_i32_0 : i32, i32, i32
  }
  func.func @transform_1(%arg0: i32) -> (i32, i32) {
    %c0_i32 = arith.constant 0 : i32
    %c0_i32_0 = arith.constant 0 : i32
    return %arg0, %c0_i32 : i32, i32
  }
  func.func @transform_2(%arg0: i32) -> (i32, i32) {
    %c0_i32 = arith.constant 0 : i32
    %c0_i32_0 = arith.constant 0 : i32
    return %arg0, %c0_i32 : i32, i32
  }
}

</mosaic_0001>

<sc_bundles>
// kernel: kernel.5.cloned.1.call-start
scs
__scs_entry_jumppad:
0x0: {  	(pc) =	sbr.rel $0x88, $3  }
0x1: {  	(tag) =	ssettag $0x0;
	lr =	simm.s32 $0x1  }
0x2: {  	[smem:$0x3F9D] =	sst lr;
	_ =	strace $0xD0000000  }
0x3: {  	_ = 	snop  }
0x4: {  	_ = 	snop  }
0x5: {  	_ = 	snop  }
0x6: {  	_ = 	snop  }
0x7: {  	_ = 	snop  }
__scs_overlays_trampoline_lowered:
0x8: {  	[smem:$0x3FAC] =	sst s0  }
0x9: {  	[smem:$0x3FAD] =	sst s1  }
0xa: {  	[smem:$0x3FAE] =	sst s2  }
0xb: {  	[smem:$0x3FAF] =	sst s3  }
0xc: {  	[smem:$0x3FB0] =	sst s4  }
0xd: {  	[smem:$0x3FB1] =	sst s5  }
0xe: {  	[smem:$0x3FB2] =	sst s6  }
0xf: {  	[smem:$0x3FB3] =	sst s7  }
0x10: {  	[smem:$0x3FB4] =	sst s8  }
0x11: {  	[smem:$0x3FB5] =	sst s9;
	s0 =	simm.s32 @!p0 $0x0  }
0x12: {  	s1 =	sld [smem:$0x3F9B];
	s0 =	simm.s32 @p0 $0x1  }
0x13: {  	[smem:$0x3FB6] =	sst s0;
	s0 =	simm.s32 @!p1 $0x0  }
0x14: {  	s2 =	sld [smem:$0x3F9A];
	s0 =	simm.s32 @p1 $0x1  }
0x15: {  	[smem:$0x3FB7] =	sst s0;
	s0 =	simm.s32 @!p2 $0x0  }
0x16: {  	s3 =	sld [smem:$0x3FDB];
	s0 =	simm.s32 @p2 $0x1  }
0x17: {  	s4 =	simm.s32 $0x1BF5;
	[smem:$0x3FB9] =	sst s0  }
0x18: {  	s0 =	sld [smem:$0x3F9C];
	_ =	swait.ge [sflag:s4], $0x0  }
0x19: {  	s7 =	sld [smem:$0x3F9D]  }
0x1a: {  	s8 =	sadd.s32 $0xFFFFE003, lr  }
0x1b: {  	s9 =	sadd.s32 $0xFFFFFEF7, lr;
	s5 =	simm.s32 $0xFFFFFFFF;
	p2 =	slt.u32 s8, $0xFFFFF086  }
0x1c: {  	p1 =	slt.u32 s9, $0xF7A;
	s5 =	simm.s32 @!p2 $0x0  }
0x1d: {  	s5 =	simm.s32 @p1 $0x1;
	p0 =	seq.s32 s7, s2  }
0x1e: {  	s7 =	smul.u32 @!p0 $0xF7A, s2;
	p2 =	seq.s32 @!p0 s5, $0x0  }
0x1f: {  	s9 =	smul.u32 $0xF7A, s1;
	s8 =	simm.s32 @!p0 $0x1BF5;
	p2 =	por !p2, p0  }
0x20: {  	[sflag:s8] =	ssyncset.s32 @!p0 $0xFFFFF086;
	s6 =	sadd.s32 @!p0 s3, s7;
	s7 =	simm.s32 @!p0 $0x108  }
0x21: {  	s3 =	sadd.s32 s3, s9;
	s6 =	sadd.s32 @!p0 $0x88, s6;
	s7 =	simm.s32 @p2 $0x1082  }
0x22: {  	[simem:s7], [sflag:s8] =	dma.local @!p0 [hbm:s6], $0xF7A  }
0x23: {  	s9 =	sor.u32 $0xD0000000, s2;
	s6 =	simm.s32 $0x108;
	_ =	swait.ge @!p0 [sflag:s8], $0x0  }
0x24: {  	s3 =	sadd.s32 $0x88, s3;
	s6 =	simm.s32 @!p1 $0x1082;
	[sflag:s4] =	ssyncset.s32 $0xFFFFF086  }
0x25: {  	[simem:s6], [sflag:s4] =	dma.local [hbm:s3], $0xF7A  }
0x26: {  	[smem:$0x3F9D] =	sst s1;
	(tag) =	ssettag s2;
	_ =	strace s9  }
0x27: {  	s1 =	sld [smem:$0x3FAD]  }
0x28: {  	s2 =	sld [smem:$0x3FAE]  }
0x29: {  	s4 =	sld [smem:$0x3FB0]  }
0x2a: {  	p0 =	seq.s32 s5, $0x0;
	s5 =	sld [smem:$0x3FB1]  }
0x2b: {  	s6 =	sld [smem:$0x3FB2]  }
0x2c: {  	s7 =	sld [smem:$0x3FB3]  }
0x2d: {  	s3 =	simm.s32 $0x108;
	s8 =	sld [smem:$0x3FB4]  }
0x2e: {  	s3 =	simm.s32 @!p0 $0x1082;
	s9 =	sld [smem:$0x3FB5]  }
0x2f: {  	lr =	sadd.s32 s0, s3;
	s0 =	sld [smem:$0x3FAC]  }
0x30: {  	s3 =	sld [smem:$0x3FAF]  }
0x31: {  	[smem:$0x3FB8] =	sst s10  }
0x32: {  	s10 =	sld [smem:$0x3FB6];
	_ =	sdelay $0x3  }
0x33: {  	p0 =	seq.s32 s10, $0x1;
	s10 =	sld [smem:$0x3FB8];
	_ =	sdelay $0x3  }
0x34: {  	[smem:$0x3FB8] =	sst s10  }
0x35: {  	s10 =	sld [smem:$0x3FB7];
	_ =	sdelay $0x3  }
0x36: {  	p1 =	seq.s32 s10, $0x1;
	s10 =	sld [smem:$0x3FB8];
	_ =	sdelay $0x3  }
0x37: {  	[smem:$0x3FB8] =	sst s10  }
0x38: {  	s10 =	sld [smem:$0x3FB9]  }
0x39: {  	_ = 	snop;
	(pc) =	sbr.ind lr, $3  }
0x3a: {  	_ = 	snop  }
0x3b: {  	_ = 	snop  }
0x3c: {  	p2 =	seq.s32 s10, $0x1;
	s10 =	sld [smem:$0x3FB8]  }
0x3d: {  	_ =	shalt  }
0x3e: {  	_ =	shalt  }
0x3f: {  	_ =	shalt  }
0x40: {  	_ =	shalt  }
0x41: {  	_ =	shalt  }
0x42: {  	_ =	shalt  }
0x43: {  	_ =	shalt  }
0x44: {  	_ =	shalt  }
0x45: {  	_ =	shalt  }
0x46: {  	_ =	shalt  }
0x47: {  	_ =	shalt  }
0x48: {  	_ =	shalt  }
0x49: {  	_ =	shalt  }
0x4a: {  	_ =	shalt  }
0x4b: {  	_ =	shalt  }
0x4c: {  	_ =	shalt  }
0x4d: {  	_ =	shalt  }
0x4e: {  	_ =	shalt  }
0x4f: {  	_ =	shalt  }
0x50: {  	_ =	shalt  }
0x51: {  	_ =	shalt  }
0x52: {  	_ =	shalt  }
0x53: {  	_ =	shalt  }
0x54: {  	_ =	shalt  }
0x55: {  	_ =	shalt  }
0x56: {  	_ =	shalt  }
0x57: {  	_ =	shalt  }
0x58: {  	_ =	shalt  }
0x59: {  	_ =	shalt  }
0x5a: {  	_ =	shalt  }
0x5b: {  	_ =	shalt  }
0x5c: {  	_ =	shalt  }
0x5d: {  	_ =	shalt  }
0x5e: {  	_ =	shalt  }
0x5f: {  	_ =	shalt  }
0x60: {  	_ =	shalt  }
0x61: {  	_ =	shalt  }
0x62: {  	_ =	shalt  }
0x63: {  	_ =	shalt  }
0x64: {  	_ =	shalt  }
0x65: {  	_ =	shalt  }
0x66: {  	_ =	shalt  }
0x67: {  	_ =	shalt  }
0x68: {  	_ =	shalt  }
0x69: {  	_ =	shalt  }
0x6a: {  	_ =	shalt  }
0x6b: {  	_ =	shalt  }
0x6c: {  	_ =	shalt  }
0x6d: {  	_ =	shalt  }
0x6e: {  	_ =	shalt  }
0x6f: {  	_ =	shalt  }
0x70: {  	_ =	shalt  }
0x71: {  	_ =	shalt  }
0x72: {  	_ =	shalt  }
0x73: {  	_ =	shalt  }
0x74: {  	_ =	shalt  }
0x75: {  	_ =	shalt  }
0x76: {  	_ =	shalt  }
0x77: {  	_ =	shalt  }
0x78: {  	_ =	shalt  }
0x79: {  	_ =	shalt  }
0x7a: {  	_ =	shalt  }
0x7b: {  	_ =	shalt  }
0x7c: {  	_ =	shalt  }
0x7d: {  	_ =	shalt  }
0x7e: {  	_ =	shalt  }
0x7f: {  	_ =	shalt  }
0x80: {  	_ =	shalt  }
0x81: {  	_ =	shalt  }
0x82: {  	_ =	shalt  }
0x83: {  	_ =	shalt  }
0x84: {  	_ =	shalt  }
0x85: {  	_ =	shalt  }
0x86: {  	_ =	shalt  }
0x87: {  	_ =	shalt  }
.Lfunc_end0:
.L_simem_size_0:
called_computation_lowered:
.L_overlay_start_0:
0x88: {  	s2 =	sld [smem:$0x3FD9]  }
0x89: {  	s3 =	sld [smem:$0x3FFE];
	_ =	sdelay $0x1  }
0x8a: {  	s1 =	srdreg.scid  }
0x8b: {  	s0 =	sand.u32 $0x1, s1  }
0x8c: {  	s17 =	sshll.u32 s0, $0xA;
	s2 =	sadd.s32 s3, s2  }
0x8d: {  	s2 =	sadd.s32 s2, s17  }
0x8e: {  	[smem:$0x3FC4] =	sst s2  }
0x8f: {  	_ = 	snop  }
0x90: {  	s2 =	sld [smem:$0x3FC9]  }
0x91: {  	s18 =	sld [smem:$0x3FD0];
	(tm) =	ssettm $0x1  }
0x92: {  	s4 =	sld [smem:$0x3FFB];
	_ =	sdelay $0x3  }
0x93: {  	_ =	strace s4  }
0x94: {  	s4 =	sld [smem:$0x3FFC];
	_ =	sdelay $0x3  }
0x95: {  	_ =	strace s4  }
0x96: {  	s4 =	sld [smem:$0x3FFD];
	_ =	sdelay $0x3  }
0x97: {  	_ =	strace s4  }
0x98: {  	_ =	strace $0x8FFFFFFF  }
0x99: {  	s19 =	sld [smem:$0x3FDB];
	_ =	sdelay $0x1  }
0x9a: {  	s5 =	simm.s32 $_scs_section_size  }
0x9b: {  	s6 =	simm.s32 $_size__tile_overlayer_lowered;
	s7 =	simm.s32 $_tile_overlayer_lowered  }
0x9c: {  	s22 =	simm.s32 $0x1BFF;
	s21 =	sshll.u32 s7, $0x1;
	s4 =	sadd.s32 s5, s19  }
0x9d: {  	s8 =	simm.s32 $0x0;
	s20 =	sshll.u32 s6, $0x1;
	s6 =	sadd.s32 s21, s4  }
0x9e: {  	[timem:s8], [sflag:s22] =	dma.local [hbm:s6], s20  }
0x9f: {  	_ =	swait.ge [sflag:s22], s20  }
0xa0: {  	s5 =	ssub.s32 $0x0, s20;
	[sflag:s22] =	ssyncset.done $0x0  }
0xa1: {  	[sflag:s22] =	ssyncadd.s32 s5;
	_ =	sdelay $0x1  }
0xa2: {  	s23 =	simm.s32 $0x1B8B  }
0xa3: {  	_ =	swait.ge [sflag:s23], $0x1  }
0xa4: {  	[sflag:s23] =	ssyncset.done $0x0  }
0xa5: {  	s25 =	simm.s32 $0x1B8E;
	s24 =	sld [smem:$0x3FFE];
	[sflag:s23] =	ssyncadd.s32 $0xFFFFFFFF  }
0xa6: {  	s26 =	simm.s32 $execute0_lowered;
	[smem:$0x3FD2] =	sst s25  }
0xa7: {  	s6 =	sshll.u32 s26, $0x1;
	_ =	strace $0x80000046;
	[dreg:$0x1] =	wrdreg $0xFFFFFFFF  }
0xa8: {  	s28 =	simm.s32 $_size_execute0_lowered;
	s4 =	sadd.s32 s4, s6;
	[dreg:$0x0] =	wrdreg $0x0  }
0xa9: {  	s6 =	sshll.u32 s28, $0x1;
	[dreg:$0x2] =	wrdreg s4  }
0xaa: {  	[dreg:$0x3] =	wrdreg s6  }
0xab: {  	[dreg:$0x4] =	wrdreg $0xC0  }
0xac: {  	_ =	task [dreg:s8], $0x5FFFF  }
0xad: {  	[dreg:$0x1] =	wrdreg $0xFFFFFFFF  }
0xae: {  	[dreg:$0x0] =	wrdreg $0x60  }
0xaf: {  	[dreg:$0x2] =	wrdreg s2  }
0xb0: {  	[dreg:$0x3] =	wrdreg s18  }
0xb1: {  	[dreg:$0x4] =	wrdreg s24  }
0xb2: {  	[dreg:$0x5] =	wrdreg $0x9  }
0xb3: {  	_ =	task.clear_ibuf [dreg:s8], $0x6FFFF;
	_ =	strace $0x90000046  }
0xb4: {  	s29 =	simm.s32 $0x9;
	_ =	strace $0x80000048  }
0xb5: {  	_ =	swait.ge [sflag:s29], $0x1  }
0xb6: {  	[sflag:s29] =	ssyncadd.s32 $0xFFFFFFFF  }
0xb7: {  	_ =	strace $0x90000048  }
0xb8: {  	_ =	sfence  }
0xb9: {  	s30 =	sld [smem:$0x0];
	_ =	sdelay $0x2  }
0xba: {  	s31 =	sshll.u32 s1, $0xD;
	s1 =	sshrl.u32 s1, $0x2  }
0xbb: {  	s3 =	sand.u32 $0x4000, s31;
	s1 =	sadd.s32 s1, s30  }
0xbc: {  	s0 =	sor.u32 s3, s0;
	s1 =	sshll.u32 s1, $0x11  }
0xbd: {  	s0 =	sor.u32 s1, s0  }
0xbe: {  	s0 =	sadd.s32 $0x8F2B, s0  }
0xbf: {  	[sflag:s0] =	ssyncadd.remote.s32 $0x1  }
0xc0: {  	_ =	sfence.sel $0xFFFF  }
0xc1: {  	[dreg:$0x0] =	wrdreg $0xFFFFFFFF;
	(pc) =	sbr.abs _section_cstart, $3  }
0xc2: {  	[dreg:$0x1] =	wrdreg $0xFFFFFFFF  }
0xc3: {  	_ =	task.clear_ibuf [dreg:s8], $0x2FFFF;
	_ =	strace $0x9FFFFFFF  }
0xc4: {  	(tm) =	ssettm $0x7FFFFFFF  }
0xc5: {  	_ =	shalt  }
tec
execute0_lowered:
.L_overlay_start_1:
0x0: {  	(tag) =	ssettag $0x1  }
0x1: {  	s2 =	rddreg [dreg:$0x0]  }
0x2: {  	s6 =	rddreg [dreg:$0x1]  }
0x3: {  	s4 =	rddreg [dreg:$0x2]  }
0x4: {  	s0 =	rddreg [dreg:$0x3];
	s1 =	stileid.u32  }
0x5: {  	s7 =	srdreg.scid;
	s5 =	smul.u32 $0xC000, s1  }
0x6: {  	s3 =	simm.s32 $0x0;
	s7 =	sand.u32 $0x1, s7;
	s8 =	smul.u32 $0xC00, s1  }
0x7: {  	[smem:$0x7FF] =	sst s3;
	s9 =	ssub.s32 $0x2, s7;
	s10 =	smul.u32 $0x600, s7  }
0x8: {  	s7 =	smul.u32 $0x6000, s7;
	_ =	strace $0x80000047;
	s30 =	sshrl.u32 s9, $0x1  }
0x9: {  	s5 =	sadd.s32 s5, s4;
	s4 =	ssub.s32 s9, s30;
	s8 =	sadd.s32 s10, s8  }
0xa: {  	s5 =	sadd.s32 s7, s5;
	s7 =	simm.s32 $0x2;
	s9 =	simm.s32 $0x1  }
0xb: {  	s10 =	simm.s32 $0x0;
	s4 =	smax.u32 s4, $0x1;
	s31 =	sshrl.u32 s8, $0x3  }
0xc: {  	s5 =	sadd.s32 $0x200, s5;
	s8 =	simm.s32 $0x80;
	s6 =	sadd.s32 s31, s6  }
.LBB2_1:
0xd: {  	s11 =	sadd.s32 $0x0, s6  }
0xe: {  	[tilespmem:s3], [sflag:$0x2] =	stream.linear.gather [hbm4b:s11+s3], $0x80, $0x38;
	[tilespmem:$0x4080] =	vst v63  }
0xf: {  	_ =	swait.ge [sflag:s7], $0x80  }
0x10: {  	[sflag:s7] =	ssyncset.done $0x0  }
0x11: {  	[sflag:s7] =	ssyncadd.s32 $0xFFFFFF80  }
0x12: {  	[tilespmem:s8], [sflag:$0x1] =	stream.indirect.gather [hbm4b:s2+s8], $0x80, s3, s8, $0xb8;
	[tilespmem:$0x4080] =	vst v63  }
0x13: {  	_ =	swait.ge [sflag:s9], $0x4000  }
0x14: {  	[sflag:s9] =	ssyncset.done $0x0  }
0x15: {  	[sflag:s9] =	ssyncadd.s32 $0xFFFFC000  }
0x16: {  	[hbm4b:s5+s3] =	stream.linear.scatter [tilespmem:s8], [sflag:$0x2], $0x4000, $0x38;
	[tilespmem:$0x4080] =	vst v63  }
0x17: {  	s12 =	simm.s32 $0x10;
	_ =	swait.ge [sflag:s7], $0x4000  }
0x18: {  	s13 =	simm.s32 $0x20;
	s11 =	sadd.s32 $0x800, s5;
	[sflag:s7] =	ssyncset.done $0x0  }
.LBB2_2:
0x19: {  	s14 =	sadd.s32 s12, s6  }
0x1a: {  	[sflag:s7] =	ssyncadd.s32 $0xFFFFC000;
	s12 =	smov.u32 s13;
	s15 =	sadd.s32 $0x10, s13  }
0x1b: {  	[tilespmem:s3], [sflag:$0x2] =	stream.linear.gather [hbm4b:s14+s3], $0x80, $0x38;
	[tilespmem:$0x4080] =	vst v63  }
0x1c: {  	p0 =	sne.s32 s13, $0xB0;
	_ =	swait.ge [sflag:s7], $0x80  }
0x1d: {  	[sflag:s7] =	ssyncset.done $0x0  }
0x1e: {  	[sflag:s7] =	ssyncadd.s32 $0xFFFFFF80  }
0x1f: {  	[tilespmem:s8], [sflag:$0x1] =	stream.indirect.gather [hbm4b:s2+s8], $0x80, s3, s8, $0xb8;
	[tilespmem:$0x4080] =	vst v63  }
0x20: {  	_ =	swait.ge [sflag:s9], $0x4000  }
.Ltmp0:
0x21: {  	[sflag:s9] =	ssyncset.done $0x0;
	(pc) =	sbr.rel @p0 .LBB2_2-.Ltmp0, $4  }
0x22: {  	[sflag:s9] =	ssyncadd.s32 $0xFFFFC000  }
0x23: {  	[hbm4b:s11+s3] =	stream.linear.scatter [tilespmem:s8], [sflag:$0x2], $0x4000, $0x38;
	[tilespmem:$0x4080] =	vst v63  }
0x24: {  	_ =	swait.ge [sflag:s7], $0x4000  }
0x25: {  	s13 =	smov.u32 s15;
	s11 =	sadd.s32 $0x800, s11;
	[sflag:s7] =	ssyncset.done $0x0  }
0x26: {  	s12 =	sadd.s32 s12, s6;
	[sflag:s7] =	ssyncadd.s32 $0xFFFFC000  }
0x27: {  	[tilespmem:s3], [sflag:$0x2] =	stream.linear.gather [hbm4b:s12+s3], $0x80, $0x38;
	[tilespmem:$0x4080] =	vst v63  }
0x28: {  	_ =	swait.ge [sflag:s7], $0x80  }
0x29: {  	[sflag:s7] =	ssyncset.done $0x0  }
0x2a: {  	[sflag:s7] =	ssyncadd.s32 $0xFFFFFF80  }
0x2b: {  	[tilespmem:s8], [sflag:$0x1] =	stream.indirect.gather [hbm4b:s2+s8], $0x80, s3, s8, $0xb8;
	[tilespmem:$0x4080] =	vst v63  }
0x2c: {  	s10 =	sadd.s32 $0x1, s10;
	_ =	swait.ge [sflag:s9], $0x4000  }
0x2d: {  	p0 =	sne.s32 s10, s4;
	[sflag:s9] =	ssyncset.done $0x0  }
.Ltmp1:
0x2e: {  	[sflag:s9] =	ssyncadd.s32 $0xFFFFC000;
	(pc) =	sbr.rel @p0 .LBB2_1-.Ltmp1, $4  }
0x2f: {  	[hbm4b:s11+s3] =	stream.linear.scatter [tilespmem:s8], [sflag:$0x2], $0x4000, $0x38;
	[tilespmem:$0x4080] =	vst v63  }
0x30: {  	_ =	swait.ge [sflag:s7], $0x4000  }
0x31: {  	[sflag:s7] =	ssyncset.done $0x0  }
0x32: {  	[sflag:s7] =	ssyncadd.s32 $0xFFFFC000  }
0x33: {  	_ =	sfence.sel $0x180000  }
0x34: {  	[bflag:$0x0] =	sbarrier.arrive $0xFFFF  }
0x35: {  	p0 =	sne.s32 s1, $0x0;
	_ =	strace $0x90000047  }
0x36: {  	s0 =	sadd.s32 @!p0 $0x100000, s0;
	[bflag:$0x2] =	sbarrier.arrive $0xFFFF  }
0x37: {  	[sflag:s0] =	ssyncadd.tile.s32 @!p0 $0x1;
	_ =	shalt  }
.Lfunc_end2:
_tile_overlayer_lowered:
.L_overlay_start_2:
0x38: {  	(tag) =	ssettag $0x2  }
0x39: {  	s0 =	rddreg [dreg:$0x0];
	s2 =	stileid.u32  }
0x3a: {  	s1 =	rddreg [dreg:$0x1];
	p0 =	sne.s32 s2, $0x0  }
0x3b: {  	s3 =	rddreg [dreg:$0x2];
	[bflag:$0x3] =	sbarrier.arrive $0xFFFF;
	s2 =	simm.s32 @!p0 $0x1C02  }
0x3c: {  	[timem:s3], [sflag:s2] =	dma.local @!p0 [hbm:s0], s1  }
0x3d: {  	s0 =	simm.s32 @!p0 $0x2  }
0x3e: {  	_ =	swait.ge @!p0 [sflag:s0], s1  }
0x3f: {  	s1 =	ssub.s32 @!p0 $0x0, s1;
	[sflag:s0] =	ssyncset.done @!p0 $0x0  }
0x40: {  	[sflag:s0] =	ssyncadd.s32 @!p0 s1  }
0x41: {  	[bflag:$0x3] =	sbarrier.arrive $0xFFFF  }
0x42: {  	_ =	shalt  }

</sc_bundles>
